<compile_context>
chip_gen: v7x
topology: tpu7x:2x2x1
jax: 0.10.2.dev20260603
libtpu: 0.0.44.dev20260713+nightly
codegen_flags: <defaults>
</compile_context>

<pallas_src>
import functools

import jax
import jax.numpy as jnp
from jax import lax
from jax.experimental import pallas as pl
from jax.experimental.pallas import tpu as pltpu
from jax.experimental.pallas import tpu_sc as plsc

VOCAB = 1_000_000
EMB = 64
BATCH = 4096
SEQ = 200
S2 = SEQ // 2
OUT_W = EMB * S2

_info = plsc.get_sparse_core_info()
NC, NS = _info.num_cores, _info.num_subcores
NW = NC * NS
B_PER_W = BATCH // NW


def _fused_embed(ids, weight):
    mesh = plsc.VectorSubcoreMesh(core_axis_name="c", subcore_axis_name="s")

    @functools.partial(
        pl.kernel,
        mesh=mesh,
        out_type=jax.ShapeDtypeStruct((BATCH, OUT_W), jnp.int32),
        scratch_types=[
            pltpu.VMEM((B_PER_W, SEQ), jnp.int32),
            pltpu.VMEM((SEQ, EMB), jnp.float16),
            pltpu.VMEM((OUT_W,), jnp.int32),
            pltpu.SemaphoreType.DMA,
            pltpu.SemaphoreType.DMA,
        ],
        compiler_params=pltpu.CompilerParams(
            use_tc_tiling_on_sc=False, needs_layout_passes=False
        ),
    )
    def k(ids_hbm, w_hbm, out_hbm, ids_v, g_v, t_v, sem_g, sem_w):
        wid = lax.axis_index("s") * NC + lax.axis_index("c")
        b0 = wid * B_PER_W
        pltpu.sync_copy(ids_hbm.at[pl.ds(b0, B_PER_W)], ids_v)

        lane = lax.broadcasted_iota(jnp.int32, (16,), 0)
        p_even = lane * (2 * S2)
        lo_mask = jnp.full((16,), 0xFFFF, jnp.int32)
        hi_mask = jnp.full((16,), -0x10000, jnp.int32)

        def body(bl, _):
            cp0 = pltpu.async_copy(
                w_hbm.at[ids_v.at[bl, pl.ds(0, 128)]],
                g_v.at[pl.ds(0, 128)],
                sem_g,
            )
            cp1 = pltpu.async_copy(
                w_hbm.at[ids_v.at[bl, pl.ds(128, 72)]],
                g_v.at[pl.ds(128, 72)],
                sem_g,
            )
            cp0.wait()
            cp1.wait()

            def col(s2, _):
                a = plsc.bitcast(g_v[2 * s2, pl.ds(0, 32)], jnp.int32)
                b = plsc.bitcast(g_v[2 * s2 + 1, pl.ds(0, 32)], jnp.int32)
                a2 = plsc.bitcast(g_v[2 * s2, pl.ds(32, 32)], jnp.int32)
                b2 = plsc.bitcast(g_v[2 * s2 + 1, pl.ds(32, 32)], jnp.int32)
                c0 = (a & lo_mask) | lax.shift_left(b, 16)
                c1 = lax.shift_right_logical(a, 16) | (b & hi_mask)
                c2 = (a2 & lo_mask) | lax.shift_left(b2, 16)
                c3 = lax.shift_right_logical(a2, 16) | (b2 & hi_mask)
                plsc.store_scatter(t_v, [p_even + s2], c0)
                plsc.store_scatter(t_v, [p_even + (S2 + s2)], c1)
                plsc.store_scatter(t_v, [p_even + (32 * S2 + s2)], c2)
                plsc.store_scatter(t_v, [p_even + (33 * S2 + s2)], c3)
                return ()

            lax.fori_loop(0, S2, col, ())
            pltpu.async_copy(t_v, out_hbm.at[b0 + bl], sem_w).wait()
            return ()

        lax.fori_loop(0, B_PER_W, body, ())

    return k(ids, weight)


def kernel(ids, weight):
    out_i32 = _fused_embed(ids, weight)
    out = lax.bitcast_convert_type(out_i32, jnp.float16)
    return out.reshape(BATCH, EMB, SEQ)

# --- scband reference (transcript-rebuilt; emitter-appended) ---
"""Pipeline reference for scband-embedding-43911745634413 (READ-ONLY COPY).

The authoritative reference and input builder live on the scoring server;
editing this copy changes nothing except your own understanding.
"""

import jax, jax.numpy as jnp
import numpy as np

VOCAB_SIZE = 1000000
EMBEDDING_SIZE = 64
BATCH = 4096
SEQ_LEN = 200


def setup_inputs(seed: int = 0) -> dict:
    key = jax.random.key(seed)
    k_ids, k_w = jax.random.split(key)
    ids = jax.random.randint(k_ids, (BATCH, SEQ_LEN), 0, VOCAB_SIZE, dtype=jnp.int32)
    weight = (jax.random.normal(k_w, (VOCAB_SIZE, EMBEDDING_SIZE), dtype=jnp.float32) * 0.02).astype(jnp.float16)
    return {"ids": ids, "weight": weight}


def reference(ids, weight):
    # Faithful to OpEmbedding.forward: gather rows then emit (batch, embedding_size, seq_len)
    emb = jnp.take(weight, ids, axis=0)          # (B, S, E)
    out = jnp.transpose(emb, (0, 2, 1))          # (B, E, S), fp16
    return out

if __name__ == "__main__":
    import jax
    _d = setup_inputs()
    print(jax.jit(kernel)(*tuple(_d.values())))

</pallas_src>

<mosaic_0001>
#map = affine_map<(d0, d1) -> (0, 0)>
module attributes {stable_mosaic.version = 14 : i64} {
  func.func @k(%arg0: i32, %arg1: i32, %arg2: memref<4096x200xi32, #tpu.memory_space<hbm>>, %arg3: memref<1000000x64xf16, #tpu.memory_space<hbm>>, %arg4: memref<4096x6400xi32, #tpu.memory_space<hbm>>, %arg5: memref<128x200xi32, #tpu.memory_space<vmem>>, %arg6: memref<200x64xf16, #tpu.memory_space<vmem>>, %arg7: memref<6400xi32, #tpu.memory_space<vmem>>, %arg8: memref<!tpu.dma_semaphore, #tpu.memory_space<semaphore_mem>>, %arg9: memref<!tpu.dma_semaphore, #tpu.memory_space<semaphore_mem>>) attributes {dimension_semantics = [#tpu.dimension_semantics<core_parallel>, #tpu.dimension_semantics<subcore_parallel>], iteration_bounds = array<i64: 2, 16>, scalar_prefetch = 0 : i64, scratch_operands = 5 : i64, tpu.core_type = #tpu.core_type<sc_vector_subcore>, window_params = [{transform_indices = #map}, {transform_indices = #map}, {transform_indices = #map}]} {
    %mul3A = arith.constant 2 : i32
    %mul3A_0 = arith.muli %arg1, %mul3A : i32
    %add3A = arith.addi %mul3A_0, %arg0 : i32
    %mul3A_1 = arith.constant 128 : i32
    %mul3A_2 = arith.muli %add3A, %mul3A_1 : i32
    "tpu.region"() ({
      %run_scoped3A = tpu.sem_alloc : memref<!tpu.dma_semaphore, #tpu.memory_space<semaphore_mem>>
      %dma_start3A = arith.constant 0 : i32
      %dma_start3A_13 = tpu.memref_slice %arg2[%mul3A_2, %dma_start3A] : memref<4096x200xi32, #tpu.memory_space<hbm>> -> memref<128x200xi32, #tpu.memory_space<hbm>>
      %dma_start3A_14 = arith.constant 0 : i32
      %dma_start3A_15 = tpu.memref_slice %arg2[%mul3A_2, %dma_start3A_14] : memref<4096x200xi32, #tpu.memory_space<hbm>> -> memref<128x200xi32, #tpu.memory_space<hbm>>
      tpu.enqueue_dma source(%dma_start3A_15 : memref<128x200xi32, #tpu.memory_space<hbm>>) target(%arg5 : memref<128x200xi32, #tpu.memory_space<vmem>>) target_semaphore(%run_scoped3A : memref<!tpu.dma_semaphore, #tpu.memory_space<semaphore_mem>>)
      %dma_wait3A = arith.constant 0 : i32
      %dma_wait3A_16 = tpu.memref_slice %arg2[%mul3A_2, %dma_wait3A] : memref<4096x200xi32, #tpu.memory_space<hbm>> -> memref<128x200xi32, #tpu.memory_space<hbm>>
      %dma_wait3A_17 = arith.constant 0 : i32
      %dma_wait3A_18 = tpu.memref_slice %arg2[%mul3A_2, %dma_wait3A_17] : memref<4096x200xi32, #tpu.memory_space<hbm>> -> memref<128x200xi32, #tpu.memory_space<hbm>>
      tpu.wait_dma2 semaphore(%run_scoped3A : memref<!tpu.dma_semaphore, #tpu.memory_space<semaphore_mem>>) src(%dma_wait3A_18 : memref<128x200xi32, #tpu.memory_space<hbm>>) dst(%arg5 : memref<128x200xi32, #tpu.memory_space<vmem>>)
      tpu.yield
    }) : () -> ()
    %iota3A = tpu.iota {dimensions = array<i32: 0>} : vector<16xi32>
    %mul3A_3 = arith.constant 200 : i32
    %mul3A_4 = vector.broadcast %mul3A_3 : i32 to vector<16xi32>
    %mul3A_5 = arith.muli %iota3A, %mul3A_4 : vector<16xi32>
    %broadcast_in_dim3A = arith.constant 65535 : i32
    %broadcast_in_dim3A_6 = vector.broadcast %broadcast_in_dim3A : i32 to vector<16xi32>
    %broadcast_in_dim3A_7 = arith.constant -65536 : i32
    %broadcast_in_dim3A_8 = vector.broadcast %broadcast_in_dim3A_7 : i32 to vector<16xi32>
    %scan3A = arith.constant 0 : i32
    %scan3A_9 = arith.constant 128 : i32
    %scan3A_10 = arith.addi %scan3A, %scan3A_9 : i32
    %scan3A_11 = arith.constant 1 : i32
    scf.for %scan3A_13 = %scan3A to %scan3A_10 step %scan3A_11  : i32 {
      %dma_start3A = arith.constant 0 : i32
      %dma_start3A_14 = arith.constant 0 : i32
      %dma_start3A_15 = tpu.memref_slice %arg6[%dma_start3A, %dma_start3A_14] : memref<200x64xf16, #tpu.memory_space<vmem>> -> memref<128x64xf16, #tpu.memory_space<vmem>>
      %dma_start3A_16 = arith.constant 0 : i32
      %dma_start3A_17 = tpu.memref_slice %arg5[%scan3A_13, %dma_start3A_16] : memref<128x200xi32, #tpu.memory_space<vmem>> -> memref<1x128xi32, #tpu.memory_space<vmem>>
      %dma_start3A_18 = tpu.memref_squeeze %dma_start3A_17 : memref<1x128xi32, #tpu.memory_space<vmem>> -> memref<128xi32, #tpu.memory_space<vmem>>
      %dma_start3A_19 = arith.constant 0 : i32
      %dma_start3A_20 = arith.constant 0 : i32
      %dma_start3A_21 = tpu.memref_slice %arg3[%dma_start3A_19, %dma_start3A_20] : memref<1000000x64xf16, #tpu.memory_space<hbm>> -> memref<1000000x64xf16, #tpu.memory_space<hbm>>
      tpu.enqueue_indirect_dma source(%dma_start3A_21 : memref<1000000x64xf16, #tpu.memory_space<hbm>>) target(%dma_start3A_15 : memref<128x64xf16, #tpu.memory_space<vmem>>) offsets(%dma_start3A_18 : memref<128xi32, #tpu.memory_space<vmem>>) semaphore(%arg8 : memref<!tpu.dma_semaphore, #tpu.memory_space<semaphore_mem>>)
      %dma_start3A_22 = arith.constant 128 : i32
      %dma_start3A_23 = arith.constant 0 : i32
      %dma_start3A_24 = tpu.memref_slice %arg6[%dma_start3A_22, %dma_start3A_23] : memref<200x64xf16, #tpu.memory_space<vmem>> -> memref<72x64xf16, #tpu.memory_space<vmem>>
      %dma_start3A_25 = arith.constant 128 : i32
      %dma_start3A_26 = tpu.memref_slice %arg5[%scan3A_13, %dma_start3A_25] : memref<128x200xi32, #tpu.memory_space<vmem>> -> memref<1x72xi32, #tpu.memory_space<vmem>>
      %dma_start3A_27 = tpu.memref_squeeze %dma_start3A_26 : memref<1x72xi32, #tpu.memory_space<vmem>> -> memref<72xi32, #tpu.memory_space<vmem>>
      %dma_start3A_28 = arith.constant 0 : i32
      %dma_start3A_29 = arith.constant 0 : i32
      %dma_start3A_30 = tpu.memref_slice %arg3[%dma_start3A_28, %dma_start3A_29] : memref<1000000x64xf16, #tpu.memory_space<hbm>> -> memref<1000000x64xf16, #tpu.memory_space<hbm>>
      tpu.enqueue_indirect_dma source(%dma_start3A_30 : memref<1000000x64xf16, #tpu.memory_space<hbm>>) target(%dma_start3A_24 : memref<72x64xf16, #tpu.memory_space<vmem>>) offsets(%dma_start3A_27 : memref<72xi32, #tpu.memory_space<vmem>>) semaphore(%arg8 : memref<!tpu.dma_semaphore, #tpu.memory_space<semaphore_mem>>)
      %dma_wait3A = arith.constant 0 : i32
      %dma_wait3A_31 = arith.constant 0 : i32
      %dma_wait3A_32 = tpu.memref_slice %arg6[%dma_wait3A, %dma_wait3A_31] : memref<200x64xf16, #tpu.memory_space<vmem>> -> memref<128x64xf16, #tpu.memory_space<vmem>>
      %dma_wait3A_33 = arith.constant 0 : i32
      %dma_wait3A_34 = tpu.memref_slice %arg5[%scan3A_13, %dma_wait3A_33] : memref<128x200xi32, #tpu.memory_space<vmem>> -> memref<1x128xi32, #tpu.memory_space<vmem>>
      %dma_wait3A_35 = tpu.memref_squeeze %dma_wait3A_34 : memref<1x128xi32, #tpu.memory_space<vmem>> -> memref<128xi32, #tpu.memory_space<vmem>>
      %dma_wait3A_36 = arith.constant 0 : i32
      %dma_wait3A_37 = arith.constant 0 : i32
      %dma_wait3A_38 = tpu.memref_slice %arg3[%dma_wait3A_36, %dma_wait3A_37] : memref<1000000x64xf16, #tpu.memory_space<hbm>> -> memref<1000000x64xf16, #tpu.memory_space<hbm>>
      tpu.wait_indirect_dma semaphore(%arg8 : memref<!tpu.dma_semaphore, #tpu.memory_space<semaphore_mem>>) src(%dma_wait3A_38 : memref<1000000x64xf16, #tpu.memory_space<hbm>>) dst(%dma_wait3A_32 : memref<128x64xf16, #tpu.memory_space<vmem>>)
      %dma_wait3A_39 = arith.constant 128 : i32
      %dma_wait3A_40 = arith.constant 0 : i32
      %dma_wait3A_41 = tpu.memref_slice %arg6[%dma_wait3A_39, %dma_wait3A_40] : memref<200x64xf16, #tpu.memory_space<vmem>> -> memref<72x64xf16, #tpu.memory_space<vmem>>
      %dma_wait3A_42 = arith.constant 128 : i32
      %dma_wait3A_43 = tpu.memref_slice %arg5[%scan3A_13, %dma_wait3A_42] : memref<128x200xi32, #tpu.memory_space<vmem>> -> memref<1x72xi32, #tpu.memory_space<vmem>>
      %dma_wait3A_44 = tpu.memref_squeeze %dma_wait3A_43 : memref<1x72xi32, #tpu.memory_space<vmem>> -> memref<72xi32, #tpu.memory_space<vmem>>
      %dma_wait3A_45 = arith.constant 0 : i32
      %dma_wait3A_46 = arith.constant 0 : i32
      %dma_wait3A_47 = tpu.memref_slice %arg3[%dma_wait3A_45, %dma_wait3A_46] : memref<1000000x64xf16, #tpu.memory_space<hbm>> -> memref<1000000x64xf16, #tpu.memory_space<hbm>>
      tpu.wait_indirect_dma semaphore(%arg8 : memref<!tpu.dma_semaphore, #tpu.memory_space<semaphore_mem>>) src(%dma_wait3A_47 : memref<1000000x64xf16, #tpu.memory_space<hbm>>) dst(%dma_wait3A_41 : memref<72x64xf16, #tpu.memory_space<vmem>>)
      %scan3A_48 = arith.constant 0 : i32
      %scan3A_49 = arith.constant 100 : i32
      %scan3A_50 = arith.addi %scan3A_48, %scan3A_49 : i32
      %scan3A_51 = arith.constant 1 : i32
      scf.for %scan3A_66 = %scan3A_48 to %scan3A_50 step %scan3A_51  : i32 {
        %mul3A_67 = arith.constant 2 : i32
        %mul3A_68 = arith.muli %mul3A_67, %scan3A_66 : i32
        %get3A = arith.index_cast %mul3A_68 : i32 to index
        %get3A_69 = arith.constant 0 : index
        %get3A_70 = tpu.vector_load %arg6[%get3A, %get3A_69] {strides = array<i32>} : memref<200x64xf16, #tpu.memory_space<vmem>>, vector<32xf16>,
        %bitcast3A = vector.bitcast %get3A_70 : vector<32xf16> to vector<16xi32>
        %mul3A_71 = arith.constant 2 : i32
        %mul3A_72 = arith.muli %mul3A_71, %scan3A_66 : i32
        %add3A_73 = arith.constant 1 : i32
        %add3A_74 = arith.addi %mul3A_72, %add3A_73 : i32
        %get3A_75 = arith.index_cast %add3A_74 : i32 to index
        %get3A_76 = arith.constant 0 : index
        %get3A_77 = tpu.vector_load %arg6[%get3A_75, %get3A_76] {strides = array<i32>} : memref<200x64xf16, #tpu.memory_space<vmem>>, vector<32xf16>,
        %bitcast3A_78 = vector.bitcast %get3A_77 : vector<32xf16> to vector<16xi32>
        %mul3A_79 = arith.constant 2 : i32
        %mul3A_80 = arith.muli %mul3A_79, %scan3A_66 : i32
        %get3A_81 = arith.index_cast %mul3A_80 : i32 to index
        %get3A_82 = arith.constant 32 : index
        %get3A_83 = tpu.vector_load %arg6[%get3A_81, %get3A_82] {strides = array<i32>} : memref<200x64xf16, #tpu.memory_space<vmem>>, vector<32xf16>,
        %bitcast3A_84 = vector.bitcast %get3A_83 : vector<32xf16> to vector<16xi32>
        %mul3A_85 = arith.constant 2 : i32
        %mul3A_86 = arith.muli %mul3A_85, %scan3A_66 : i32
        %add3A_87 = arith.constant 1 : i32
        %add3A_88 = arith.addi %mul3A_86, %add3A_87 : i32
        %get3A_89 = arith.index_cast %add3A_88 : i32 to index
        %get3A_90 = arith.constant 32 : index
        %get3A_91 = tpu.vector_load %arg6[%get3A_89, %get3A_90] {strides = array<i32>} : memref<200x64xf16, #tpu.memory_space<vmem>>, vector<32xf16>,
        %bitcast3A_92 = vector.bitcast %get3A_91 : vector<32xf16> to vector<16xi32>
        %and3A = arith.andi %bitcast3A, %broadcast_in_dim3A_6 : vector<16xi32>
        %shift_left3A = arith.constant 16 : i32
        %shift_left3A_93 = vector.broadcast %shift_left3A : i32 to vector<16xi32>
        %shift_left3A_94 = arith.shli %bitcast3A_78, %shift_left3A_93 : vector<16xi32>
        %or3A = arith.ori %and3A, %shift_left3A_94 : vector<16xi32>
        %shift_right_logical3A = arith.constant 16 : i32
        %shift_right_logical3A_95 = vector.broadcast %shift_right_logical3A : i32 to vector<16xi32>
        %shift_right_logical3A_96 = arith.shrui %bitcast3A, %shift_right_logical3A_95 : vector<16xi32>
        %and3A_97 = arith.andi %bitcast3A_78, %broadcast_in_dim3A_8 : vector<16xi32>
        %or3A_98 = arith.ori %shift_right_logical3A_96, %and3A_97 : vector<16xi32>
        %and3A_99 = arith.andi %bitcast3A_84, %broadcast_in_dim3A_6 : vector<16xi32>
        %shift_left3A_100 = arith.constant 16 : i32
        %shift_left3A_101 = vector.broadcast %shift_left3A_100 : i32 to vector<16xi32>
        %shift_left3A_102 = arith.shli %bitcast3A_92, %shift_left3A_101 : vector<16xi32>
        %or3A_103 = arith.ori %and3A_99, %shift_left3A_102 : vector<16xi32>
        %shift_right_logical3A_104 = arith.constant 16 : i32
        %shift_right_logical3A_105 = vector.broadcast %shift_right_logical3A_104 : i32 to vector<16xi32>
        %shift_right_logical3A_106 = arith.shrui %bitcast3A_84, %shift_right_logical3A_105 : vector<16xi32>
        %and3A_107 = arith.andi %bitcast3A_92, %broadcast_in_dim3A_8 : vector<16xi32>
        %or3A_108 = arith.ori %shift_right_logical3A_106, %and3A_107 : vector<16xi32>
        %add3A_109 = vector.broadcast %scan3A_66 : i32 to vector<16xi32>
        %add3A_110 = arith.addi %mul3A_5, %add3A_109 : vector<16xi32>
        tpu.vector_store_idx %arg7[%add3A_110], %or3A : memref<6400xi32, #tpu.memory_space<vmem>>[vector<16xi32>], vector<16xi32>,
        %add3A_111 = arith.constant 100 : i32
        %add3A_112 = arith.addi %add3A_111, %scan3A_66 : i32
        %add3A_113 = vector.broadcast %add3A_112 : i32 to vector<16xi32>
        %add3A_114 = arith.addi %mul3A_5, %add3A_113 : vector<16xi32>
        tpu.vector_store_idx %arg7[%add3A_114], %or3A_98 : memref<6400xi32, #tpu.memory_space<vmem>>[vector<16xi32>], vector<16xi32>,
        %add3A_115 = arith.constant 3200 : i32
        %add3A_116 = arith.addi %add3A_115, %scan3A_66 : i32
        %add3A_117 = vector.broadcast %add3A_116 : i32 to vector<16xi32>
        %add3A_118 = arith.addi %mul3A_5, %add3A_117 : vector<16xi32>
        tpu.vector_store_idx %arg7[%add3A_118], %or3A_103 : memref<6400xi32, #tpu.memory_space<vmem>>[vector<16xi32>], vector<16xi32>,
        %add3A_119 = arith.constant 3300 : i32
        %add3A_120 = arith.addi %add3A_119, %scan3A_66 : i32
        %add3A_121 = vector.broadcast %add3A_120 : i32 to vector<16xi32>
        %add3A_122 = arith.addi %mul3A_5, %add3A_121 : vector<16xi32>
        tpu.vector_store_idx %arg7[%add3A_122], %or3A_108 : memref<6400xi32, #tpu.memory_space<vmem>>[vector<16xi32>], vector<16xi32>,
      }
      %scan3A_52 = arith.constant 100 : i32
      %add3A_53 = arith.addi %mul3A_2, %scan3A_13 : i32
      %dma_start3A_54 = arith.constant 0 : i32
      %dma_start3A_55 = tpu.memref_slice %arg4[%add3A_53, %dma_start3A_54] : memref<4096x6400xi32, #tpu.memory_space<hbm>> -> memref<1x6400xi32, #tpu.memory_space<hbm>>
      %dma_start3A_56 = tpu.memref_squeeze %dma_start3A_55 : memref<1x6400xi32, #tpu.memory_space<hbm>> -> memref<6400xi32, #tpu.memory_space<hbm>>
      %dma_start3A_57 = arith.constant 0 : i32
      %dma_start3A_58 = tpu.memref_slice %arg4[%add3A_53, %dma_start3A_57] : memref<4096x6400xi32, #tpu.memory_space<hbm>> -> memref<1x6400xi32, #tpu.memory_space<hbm>>
      %dma_start3A_59 = tpu.memref_squeeze %dma_start3A_58 : memref<1x6400xi32, #tpu.memory_space<hbm>> -> memref<6400xi32, #tpu.memory_space<hbm>>
      tpu.enqueue_dma source(%arg7 : memref<6400xi32, #tpu.memory_space<vmem>>) target(%dma_start3A_59 : memref<6400xi32, #tpu.memory_space<hbm>>) target_semaphore(%arg9 : memref<!tpu.dma_semaphore, #tpu.memory_space<semaphore_mem>>)
      %dma_wait3A_60 = arith.constant 0 : i32
      %dma_wait3A_61 = tpu.memref_slice %arg4[%add3A_53, %dma_wait3A_60] : memref<4096x6400xi32, #tpu.memory_space<hbm>> -> memref<1x6400xi32, #tpu.memory_space<hbm>>
      %dma_wait3A_62 = tpu.memref_squeeze %dma_wait3A_61 : memref<1x6400xi32, #tpu.memory_space<hbm>> -> memref<6400xi32, #tpu.memory_space<hbm>>
      %dma_wait3A_63 = arith.constant 0 : i32
      %dma_wait3A_64 = tpu.memref_slice %arg4[%add3A_53, %dma_wait3A_63] : memref<4096x6400xi32, #tpu.memory_space<hbm>> -> memref<1x6400xi32, #tpu.memory_space<hbm>>
      %dma_wait3A_65 = tpu.memref_squeeze %dma_wait3A_64 : memref<1x6400xi32, #tpu.memory_space<hbm>> -> memref<6400xi32, #tpu.memory_space<hbm>>
      tpu.wait_dma2 semaphore(%arg9 : memref<!tpu.dma_semaphore, #tpu.memory_space<semaphore_mem>>) src(%arg7 : memref<6400xi32, #tpu.memory_space<vmem>>) dst(%dma_wait3A_65 : memref<6400xi32, #tpu.memory_space<hbm>>)
    }
    %scan3A_12 = arith.constant 128 : i32
    return
  }
}

</mosaic_0001>

<sc_bundles>
// kernel: kernel.3.cloned.1.call-start
scs
__scs_entry_jumppad:
0x0: {  	(pc) =	sbr.rel $0x88, $3  }
0x1: {  	(tag) =	ssettag $0x0;
	lr =	simm.s32 $0x1  }
0x2: {  	[smem:$0x3F9F] =	sst lr;
	_ =	strace $0xD0000000  }
0x3: {  	_ = 	snop  }
0x4: {  	_ = 	snop  }
0x5: {  	_ = 	snop  }
0x6: {  	_ = 	snop  }
0x7: {  	_ = 	snop  }
__scs_overlays_trampoline_lowered:
0x8: {  	[smem:$0x3FAE] =	sst s0  }
0x9: {  	[smem:$0x3FAF] =	sst s1  }
0xa: {  	[smem:$0x3FB0] =	sst s2  }
0xb: {  	[smem:$0x3FB1] =	sst s3  }
0xc: {  	[smem:$0x3FB2] =	sst s4  }
0xd: {  	[smem:$0x3FB3] =	sst s5  }
0xe: {  	[smem:$0x3FB4] =	sst s6  }
0xf: {  	[smem:$0x3FB5] =	sst s7  }
0x10: {  	[smem:$0x3FB6] =	sst s8  }
0x11: {  	[smem:$0x3FB7] =	sst s9;
	s0 =	simm.s32 @!p0 $0x0  }
0x12: {  	s1 =	sld [smem:$0x3F9D];
	s0 =	simm.s32 @p0 $0x1  }
0x13: {  	[smem:$0x3FB8] =	sst s0;
	s0 =	simm.s32 @!p1 $0x0  }
0x14: {  	s2 =	sld [smem:$0x3F9C];
	s0 =	simm.s32 @p1 $0x1  }
0x15: {  	[smem:$0x3FB9] =	sst s0;
	s0 =	simm.s32 @!p2 $0x0  }
0x16: {  	s3 =	sld [smem:$0x3FDB];
	s0 =	simm.s32 @p2 $0x1  }
0x17: {  	s4 =	simm.s32 $0x1BF5;
	[smem:$0x3FBB] =	sst s0  }
0x18: {  	s0 =	sld [smem:$0x3F9E];
	_ =	swait.ge [sflag:s4], $0x0  }
0x19: {  	s7 =	sld [smem:$0x3F9F]  }
0x1a: {  	s8 =	sadd.s32 $0xFFFFE003, lr  }
0x1b: {  	s9 =	sadd.s32 $0xFFFFFEF7, lr;
	s5 =	simm.s32 $0xFFFFFFFF;
	p2 =	slt.u32 s8, $0xFFFFF086  }
0x1c: {  	p1 =	slt.u32 s9, $0xF7A;
	s5 =	simm.s32 @!p2 $0x0  }
0x1d: {  	s5 =	simm.s32 @p1 $0x1;
	p0 =	seq.s32 s7, s2  }
0x1e: {  	s7 =	smul.u32 @!p0 $0xF7A, s2;
	p2 =	seq.s32 @!p0 s5, $0x0  }
0x1f: {  	s9 =	smul.u32 $0xF7A, s1;
	s8 =	simm.s32 @!p0 $0x1BF5;
	p2 =	por !p2, p0  }
0x20: {  	[sflag:s8] =	ssyncset.s32 @!p0 $0xFFFFF086;
	s6 =	sadd.s32 @!p0 s3, s7;
	s7 =	simm.s32 @!p0 $0x108  }
0x21: {  	s3 =	sadd.s32 s3, s9;
	s6 =	sadd.s32 @!p0 $0x88, s6;
	s7 =	simm.s32 @p2 $0x1082  }
0x22: {  	[simem:s7], [sflag:s8] =	dma.local @!p0 [hbm:s6], $0xF7A  }
0x23: {  	s9 =	sor.u32 $0xD0000000, s2;
	s6 =	simm.s32 $0x108;
	_ =	swait.ge @!p0 [sflag:s8], $0x0  }
0x24: {  	s3 =	sadd.s32 $0x88, s3;
	s6 =	simm.s32 @!p1 $0x1082;
	[sflag:s4] =	ssyncset.s32 $0xFFFFF086  }
0x25: {  	[simem:s6], [sflag:s4] =	dma.local [hbm:s3], $0xF7A  }
0x26: {  	[smem:$0x3F9F] =	sst s1;
	(tag) =	ssettag s2;
	_ =	strace s9  }
0x27: {  	s1 =	sld [smem:$0x3FAF]  }
0x28: {  	s2 =	sld [smem:$0x3FB0]  }
0x29: {  	s4 =	sld [smem:$0x3FB2]  }
0x2a: {  	p0 =	seq.s32 s5, $0x0;
	s5 =	sld [smem:$0x3FB3]  }
0x2b: {  	s6 =	sld [smem:$0x3FB4]  }
0x2c: {  	s7 =	sld [smem:$0x3FB5]  }
0x2d: {  	s3 =	simm.s32 $0x108;
	s8 =	sld [smem:$0x3FB6]  }
0x2e: {  	s3 =	simm.s32 @!p0 $0x1082;
	s9 =	sld [smem:$0x3FB7]  }
0x2f: {  	lr =	sadd.s32 s0, s3;
	s0 =	sld [smem:$0x3FAE]  }
0x30: {  	s3 =	sld [smem:$0x3FB1]  }
0x31: {  	[smem:$0x3FBA] =	sst s10  }
0x32: {  	s10 =	sld [smem:$0x3FB8];
	_ =	sdelay $0x3  }
0x33: {  	p0 =	seq.s32 s10, $0x1;
	s10 =	sld [smem:$0x3FBA];
	_ =	sdelay $0x3  }
0x34: {  	[smem:$0x3FBA] =	sst s10  }
0x35: {  	s10 =	sld [smem:$0x3FB9];
	_ =	sdelay $0x3  }
0x36: {  	p1 =	seq.s32 s10, $0x1;
	s10 =	sld [smem:$0x3FBA];
	_ =	sdelay $0x3  }
0x37: {  	[smem:$0x3FBA] =	sst s10  }
0x38: {  	s10 =	sld [smem:$0x3FBB]  }
0x39: {  	_ = 	snop;
	(pc) =	sbr.ind lr, $3  }
0x3a: {  	_ = 	snop  }
0x3b: {  	_ = 	snop  }
0x3c: {  	p2 =	seq.s32 s10, $0x1;
	s10 =	sld [smem:$0x3FBA]  }
0x3d: {  	_ =	shalt  }
0x3e: {  	_ =	shalt  }
0x3f: {  	_ =	shalt  }
0x40: {  	_ =	shalt  }
0x41: {  	_ =	shalt  }
0x42: {  	_ =	shalt  }
0x43: {  	_ =	shalt  }
0x44: {  	_ =	shalt  }
0x45: {  	_ =	shalt  }
0x46: {  	_ =	shalt  }
0x47: {  	_ =	shalt  }
0x48: {  	_ =	shalt  }
0x49: {  	_ =	shalt  }
0x4a: {  	_ =	shalt  }
0x4b: {  	_ =	shalt  }
0x4c: {  	_ =	shalt  }
0x4d: {  	_ =	shalt  }
0x4e: {  	_ =	shalt  }
0x4f: {  	_ =	shalt  }
0x50: {  	_ =	shalt  }
0x51: {  	_ =	shalt  }
0x52: {  	_ =	shalt  }
0x53: {  	_ =	shalt  }
0x54: {  	_ =	shalt  }
0x55: {  	_ =	shalt  }
0x56: {  	_ =	shalt  }
0x57: {  	_ =	shalt  }
0x58: {  	_ =	shalt  }
0x59: {  	_ =	shalt  }
0x5a: {  	_ =	shalt  }
0x5b: {  	_ =	shalt  }
0x5c: {  	_ =	shalt  }
0x5d: {  	_ =	shalt  }
0x5e: {  	_ =	shalt  }
0x5f: {  	_ =	shalt  }
0x60: {  	_ =	shalt  }
0x61: {  	_ =	shalt  }
0x62: {  	_ =	shalt  }
0x63: {  	_ =	shalt  }
0x64: {  	_ =	shalt  }
0x65: {  	_ =	shalt  }
0x66: {  	_ =	shalt  }
0x67: {  	_ =	shalt  }
0x68: {  	_ =	shalt  }
0x69: {  	_ =	shalt  }
0x6a: {  	_ =	shalt  }
0x6b: {  	_ =	shalt  }
0x6c: {  	_ =	shalt  }
0x6d: {  	_ =	shalt  }
0x6e: {  	_ =	shalt  }
0x6f: {  	_ =	shalt  }
0x70: {  	_ =	shalt  }
0x71: {  	_ =	shalt  }
0x72: {  	_ =	shalt  }
0x73: {  	_ =	shalt  }
0x74: {  	_ =	shalt  }
0x75: {  	_ =	shalt  }
0x76: {  	_ =	shalt  }
0x77: {  	_ =	shalt  }
0x78: {  	_ =	shalt  }
0x79: {  	_ =	shalt  }
0x7a: {  	_ =	shalt  }
0x7b: {  	_ =	shalt  }
0x7c: {  	_ =	shalt  }
0x7d: {  	_ =	shalt  }
0x7e: {  	_ =	shalt  }
0x7f: {  	_ =	shalt  }
0x80: {  	_ =	shalt  }
0x81: {  	_ =	shalt  }
0x82: {  	_ =	shalt  }
0x83: {  	_ =	shalt  }
0x84: {  	_ =	shalt  }
0x85: {  	_ =	shalt  }
0x86: {  	_ =	shalt  }
0x87: {  	_ =	shalt  }
.Lfunc_end0:
.L_simem_size_0:
called_computation.2_lowered:
.L_overlay_start_0:
0x88: {  	s2 =	sld [smem:$0x3FD9]  }
0x89: {  	s3 =	sld [smem:$0x3FFE];
	_ =	sdelay $0x1  }
0x8a: {  	s1 =	srdreg.scid  }
0x8b: {  	s0 =	sand.u32 $0x1, s1  }
0x8c: {  	s17 =	sshll.u32 s0, $0xA;
	s2 =	sadd.s32 s3, s2  }
0x8d: {  	s2 =	sadd.s32 s2, s17  }
0x8e: {  	[smem:$0x3FC6] =	sst s2  }
0x8f: {  	_ = 	snop  }
0x90: {  	s2 =	sld [smem:$0x3FD0];
	(tm) =	ssettm $0x1  }
0x91: {  	s18 =	sld [smem:$0x3FFB];
	_ =	sdelay $0x3  }
0x92: {  	_ =	strace s18  }
0x93: {  	s3 =	sld [smem:$0x3FFC];
	_ =	sdelay $0x3  }
0x94: {  	_ =	strace s3  }
0x95: {  	s3 =	sld [smem:$0x3FFD];
	_ =	sdelay $0x3  }
0x96: {  	_ =	strace s3  }
0x97: {  	_ =	strace $0x8FFFFFFF  }
0x98: {  	s19 =	sld [smem:$0x3FDB];
	_ =	sdelay $0x1  }
0x99: {  	s4 =	simm.s32 $_scs_section_size  }
0x9a: {  	s5 =	simm.s32 $_size__tile_overlayer_lowered;
	s6 =	simm.s32 $_tile_overlayer_lowered  }
0x9b: {  	s22 =	simm.s32 $0x1BFF;
	s21 =	sshll.u32 s6, $0x1;
	s3 =	sadd.s32 s4, s19  }
0x9c: {  	s7 =	simm.s32 $0x0;
	s20 =	sshll.u32 s5, $0x1;
	s5 =	sadd.s32 s21, s3  }
0x9d: {  	[timem:s7], [sflag:s22] =	dma.local [hbm:s5], s20  }
0x9e: {  	_ =	swait.ge [sflag:s22], s20  }
0x9f: {  	s4 =	ssub.s32 $0x0, s20;
	[sflag:s22] =	ssyncset.done $0x0  }
0xa0: {  	[sflag:s22] =	ssyncadd.s32 s4;
	_ =	sdelay $0x1  }
0xa1: {  	s23 =	simm.s32 $0x1B8B  }
0xa2: {  	_ =	swait.ge [sflag:s23], $0x1  }
0xa3: {  	[sflag:s23] =	ssyncset.done $0x0  }
0xa4: {  	s25 =	simm.s32 $0x1B8E;
	s24 =	sld [smem:$0x3FFE];
	[sflag:s23] =	ssyncadd.s32 $0xFFFFFFFF  }
0xa5: {  	s26 =	simm.s32 $execute0_lowered;
	[smem:$0x3FD2] =	sst s25  }
0xa6: {  	s5 =	sshll.u32 s26, $0x1;
	_ =	strace $0x80000049;
	[dreg:$0x1] =	wrdreg $0xFFFFFFFF  }
0xa7: {  	s28 =	simm.s32 $_size_execute0_lowered;
	s3 =	sadd.s32 s3, s5;
	[dreg:$0x0] =	wrdreg $0x0  }
0xa8: {  	s5 =	sshll.u32 s28, $0x1;
	[dreg:$0x2] =	wrdreg s3  }
0xa9: {  	[dreg:$0x3] =	wrdreg s5  }
0xaa: {  	[dreg:$0x4] =	wrdreg $0xC0  }
0xab: {  	_ =	task [dreg:s7], $0x5FFFF  }
0xac: {  	[dreg:$0x1] =	wrdreg $0xFFFFFFFF  }
0xad: {  	[dreg:$0x0] =	wrdreg $0x60  }
0xae: {  	[dreg:$0x2] =	wrdreg s2  }
0xaf: {  	[dreg:$0x3] =	wrdreg s24  }
0xb0: {  	[dreg:$0x4] =	wrdreg $0x9  }
0xb1: {  	_ =	task.clear_ibuf [dreg:s7], $0x5FFFF;
	_ =	strace $0x90000049  }
0xb2: {  	s29 =	simm.s32 $0x9;
	_ =	strace $0x8000004B  }
0xb3: {  	_ =	swait.ge [sflag:s29], $0x1  }
0xb4: {  	[sflag:s29] =	ssyncadd.s32 $0xFFFFFFFF  }
0xb5: {  	_ =	strace $0x9000004B  }
0xb6: {  	_ =	sfence  }
0xb7: {  	s30 =	sld [smem:$0x0];
	_ =	sdelay $0x2  }
0xb8: {  	s31 =	sshll.u32 s1, $0xD;
	s1 =	sshrl.u32 s1, $0x2  }
0xb9: {  	s3 =	sand.u32 $0x4000, s31;
	s1 =	sadd.s32 s1, s30  }
0xba: {  	s0 =	sor.u32 s3, s0;
	s1 =	sshll.u32 s1, $0x11  }
0xbb: {  	s0 =	sor.u32 s1, s0  }
0xbc: {  	s0 =	sadd.s32 $0x8F2B, s0  }
0xbd: {  	[sflag:s0] =	ssyncadd.remote.s32 $0x1  }
0xbe: {  	_ =	sfence.sel $0xFFFF  }
0xbf: {  	[dreg:$0x0] =	wrdreg $0xFFFFFFFF;
	(pc) =	sbr.abs _section_cstart, $3  }
0xc0: {  	[dreg:$0x1] =	wrdreg $0xFFFFFFFF  }
0xc1: {  	_ =	task.clear_ibuf [dreg:s7], $0x2FFFF;
	_ =	strace $0x9FFFFFFF  }
0xc2: {  	(tm) =	ssettm $0x7FFFFFFF  }
0xc3: {  	_ =	shalt  }
tec
execute0_lowered:
.L_overlay_start_1:
0x0: {  	(tag) =	ssettag $0x1  }
0x1: {  	s6 =	rddreg [dreg:$0x0];
	s0 =	srdreg.scid  }
0x2: {  	s5 =	rddreg [dreg:$0x1];
	s1 =	stileid.u32;
	s2 =	simm.s32 $0x0  }
0x3: {  	s10 =	simm.s32 $0x6400;
	s11 =	simm.s32 $0x48;
	s12 =	simm.s32 $0x7400  }
0x4: {  	s13 =	simm.s32 $0x1;
	s14 =	simm.s32 $0x7D00;
	s15 =	simm.s32 $0x2  }
0x5: {  	s16 =	simm.s32 $0x0;
	s3 =	sand.u32 $0x1, s0;
	s0 =	rddreg [dreg:$0x2]  }
0x6: {  	s4 =	sshll.u32 s1, $0x8;
	[smem:$0x7FF] =	sst s2;
	s7 =	sshll.u32 s3, $0x7  }
0x7: {  	s8 =	ssub.s32 $0x2, s3;
	_ =	strace $0x8000004A;
	s3 =	sor.u32 s7, s4  }
0x8: {  	s31 =	sshrl.u32 s8, $0x1;
	s4 =	sadd.s32 $0x3D1A00, s5;
	s9 =	smul.u32 $0x19, s3  }
0x9: {  	v0 =	vlaneseq.u32;
	s5 =	sadd.s32 $0x1000, s5;
	s7 =	ssub.s32 s8, s31;
	s8 =	simm.s32 $0x3  }
0xa: {  	v0 =	vmul.u32 $0xC8, v0;
	s7 =	smax.u32 s7, $0x1;
	s6 =	sadd.s32 s6, s9;
	s9 =	simm.s32 $0x80  }
.LBB2_1:
0xb: {  	[tilespmem:s2], [sflag:$0x3] =	stream.linear.gather [hbm4b:s6+s2], $0x6400, $0x38;
	[tilespmem:$0x9600] =	vst v63  }
0xc: {  	_ =	swait.ge [sflag:s8], $0x6400  }
0xd: {  	[sflag:s8] =	ssyncset.done $0x0  }
0xe: {  	s17 =	simm.s32 $0x0;
	[sflag:s8] =	ssyncadd.s32 $0xFFFF9C00  }
.LBB2_2:
0xf: {  	s18 =	smul.u32 $0x320, s17;
	_ =	sdelay $0x1  }
0x10: {  	s18 =	sshra.s32 s18, $0x2  }
0x11: {  	[tilespmem:s10], [sflag:$0x1] =	stream.indirect.gather [hbm4b:s4+s9], $0x20, s18, s9, $0xb8;
	[tilespmem:$0x9600] =	vst v63  }
0x12: {  	s18 =	sadd.s32 $0x80, s18  }
0x13: {  	[tilespmem:s12], [sflag:$0x1] =	stream.indirect.gather [hbm4b:s4+s11], $0x20, s18, s11, $0xb8;
	[tilespmem:$0x9600] =	vst v63  }
0x14: {  	_ =	swait.ge [sflag:s13], $0x1000  }
0x15: {  	[sflag:s13] =	ssyncset.done $0x0  }
0x16: {  	[sflag:s13] =	ssyncadd.s32 $0xFFFFF000  }
0x17: {  	_ =	swait.ge [sflag:s13], $0x900  }
0x18: {  	[sflag:s13] =	ssyncset.done $0x0  }
0x19: {  	s18 =	simm.s32 $0x6420;
	[sflag:s13] =	ssyncadd.s32 $0xFFFFF700  }
0x1a: {  	v1 =	vld [tilespmem:s18+$0xFFFFFFE0]  }
0x1b: {  	v2 =	vld [tilespmem:s18+$0x0]  }
0x1c: {  	s19 =	simm.s32 $0x0  }
0x1d: {  	s30 =	simm.s32 $0x64;
	v5 =	vadd.s32 s19, v0  }
0x1e: {  	v6 =	vadd.s32 s30, v0;
	v3 =	vld [tilespmem:s18+$0x10]  }
0x1f: {  	s31 =	simm.s32 $0xC80;
	v4 =	vld [tilespmem:s18+$0xFFFFFFF0]  }
0x20: {  	v7 =	vadd.s32 s31, v0;
	v8 =	vand.u32 $0xFFFF, v1;
	v9 =	vshll.u32 v2, $0x10  }
0x21: {  	v1 =	vshrl.u32 v1, $0x10;
	v2 =	vand.u32 $0xFFFF0000, v2;
	v8 =	vor.u32 v8, v9  }
0x22: {  	s20 =	simm.s32 $0xCE4;
	v1 =	vor.u32 v1, v2;
	[tilespmem:v5+s14+$0x0] =	vst.idx.msk $0xffff, v8  }
0x23: {  	[tilespmem:v6+s14+$0x0] =	vst.idx.msk $0xffff, v1;
	v1 =	vadd.s32 s20, v0  }
0x24: {  	v62 =	vshll.u32 v3, $0x10;
	v2 =	vand.u32 $0xFFFF, v4  }
0x25: {  	v3 =	vand.u32 $0xFFFF0000, v3;
	v63 =	vor.u32 v2, v62;
	v2 =	vshrl.u32 v4, $0x10  }
0x26: {  	s19 =	simm.s32 $0x1;
	v2 =	vor.u32 v2, v3;
	[tilespmem:v7+s14+$0x0] =	vst.idx.msk $0xffff, v63  }
.LBB2_3:
0x27: {  	p0 =	sne.s32 s19, $0x63  }
0x28: {  	[tilespmem:v1+s14+$0x0] =	vst.idx.msk $0xffff, v2;
	s18 =	sadd.s32 $0x40, s18;
	s20 =	smov.u32 s19;
	s19 =	sadd.s32 $0x1, s19  }
0x29: {  	v2 =	vld [tilespmem:s18+$0xFFFFFFE0]  }
0x2a: {  	v3 =	vld [tilespmem:s18+$0x0]  }
0x2b: {  	v4 =	vld [tilespmem:s18+$0x10]  }
0x2c: {  	v6 =	vadd.s32 s20, v0;
	s21 =	sadd.s32 $0x64, s20;
	v5 =	vld [tilespmem:s18+$0xFFFFFFF0]  }
0x2d: {  	v7 =	vadd.s32 s21, v0;
	s21 =	sadd.s32 $0xC80, s20  }
0x2e: {  	s20 =	sadd.s32 $0xCE4, s20;
	v8 =	vadd.s32 s21, v0  }
.Ltmp0:
0x2f: {  	v1 =	vadd.s32 s20, v0;
	v9 =	vand.u32 $0xFFFF, v2;
	v10 =	vshll.u32 v3, $0x10;
	(pc) =	sbr.rel @p0 .LBB2_3-.Ltmp0, $4  }
0x30: {  	v2 =	vshrl.u32 v2, $0x10;
	v3 =	vand.u32 $0xFFFF0000, v3;
	v9 =	vor.u32 v9, v10  }
0x31: {  	v2 =	vor.u32 v2, v3;
	v10 =	vshll.u32 v4, $0x10;
	v3 =	vand.u32 $0xFFFF, v5;
	[tilespmem:v6+s14+$0x0] =	vst.idx.msk $0xffff, v9  }
0x32: {  	v4 =	vand.u32 $0xFFFF0000, v4;
	v5 =	vshrl.u32 v5, $0x10;
	v3 =	vor.u32 v3, v10;
	[tilespmem:v7+s14+$0x0] =	vst.idx.msk $0xffff, v2  }
0x33: {  	v2 =	vor.u32 v5, v4;
	[tilespmem:v8+s14+$0x0] =	vst.idx.msk $0xffff, v3  }
0x34: {  	_ = 	snop  }
0x35: {  	s18 =	sadd.s32 s3, s17  }
0x36: {  	s17 =	sadd.s32 $0x1, s17;
	s18 =	smul.u32 $0x320, s18  }
0x37: {  	p0 =	sne.s32 s17, $0x80  }
.Ltmp1:
0x38: {  	[tilespmem:v1+s14+$0x0] =	vst.idx.msk $0xffff, v2;
	s18 =	sadd.s32 s5, s18;
	(pc) =	sbr.rel @p0 .LBB2_2-.Ltmp1, $4  }
0x39: {  	[hbm4b:s18+s2] =	stream.linear.scatter [tilespmem:s14], [sflag:$0x2], $0x1900, $0x38;
	[tilespmem:$0x9600] =	vst v63  }
0x3a: {  	_ =	swait.ge [sflag:s15], $0x1900  }
0x3b: {  	[sflag:s15] =	ssyncset.done $0x0  }
0x3c: {  	[sflag:s15] =	ssyncadd.s32 $0xFFFFE700  }
0x3d: {  	s16 =	sadd.s32 $0x1, s16  }
0x3e: {  	p0 =	sne.s32 s16, s7  }
.Ltmp2:
0x3f: {  	_ = 	snop;
	(pc) =	sbr.rel @p0 .LBB2_1-.Ltmp2, $1  }
0x40: {  	_ =	sdelay $0x3  }
0x41: {  	_ =	sfence.sel $0x180000  }
0x42: {  	[bflag:$0x0] =	sbarrier.arrive $0xFFFF  }
0x43: {  	p0 =	sne.s32 s1, $0x0;
	_ =	strace $0x9000004A  }
0x44: {  	s0 =	sadd.s32 @!p0 $0x100000, s0;
	[bflag:$0x2] =	sbarrier.arrive $0xFFFF  }
0x45: {  	[sflag:s0] =	ssyncadd.tile.s32 @!p0 $0x1;
	_ =	shalt  }
.Lfunc_end2:
_tile_overlayer_lowered:
.L_overlay_start_2:
0x46: {  	(tag) =	ssettag $0x2  }
0x47: {  	s0 =	rddreg [dreg:$0x0];
	s2 =	stileid.u32  }
0x48: {  	s1 =	rddreg [dreg:$0x1];
	p0 =	sne.s32 s2, $0x0  }
0x49: {  	s3 =	rddreg [dreg:$0x2];
	[bflag:$0x3] =	sbarrier.arrive $0xFFFF;
	s2 =	simm.s32 @!p0 $0x1C03  }
0x4a: {  	[timem:s3], [sflag:s2] =	dma.local @!p0 [hbm:s0], s1  }
0x4b: {  	s0 =	simm.s32 @!p0 $0x3  }
0x4c: {  	_ =	swait.ge @!p0 [sflag:s0], s1  }
0x4d: {  	s1 =	ssub.s32 @!p0 $0x0, s1;
	[sflag:s0] =	ssyncset.done @!p0 $0x0  }
0x4e: {  	[sflag:s0] =	ssyncadd.s32 @!p0 s1  }
0x4f: {  	[bflag:$0x3] =	sbarrier.arrive $0xFFFF  }
0x50: {  	_ =	shalt  }

// kernel: sparse-core-data-format-call.1.cloned.1.call-start
scs
called_computation.1_lowered:
.L_overlay_start_0:
0x0: {  	s1 =	sld [smem:$0x3FD9]  }
0x1: {  	s2 =	sld [smem:$0x3FFE];
	_ =	sdelay $0x1  }
0x2: {  	s3 =	srdreg.scid  }
0x3: {  	s0 =	sand.u32 $0x1, s3  }
0x4: {  	s17 =	sshll.u32 s0, $0xA;
	s1 =	sadd.s32 s2, s1  }
0x5: {  	s1 =	sadd.s32 s1, s17  }
0x6: {  	[smem:$0x3FC6] =	sst s1  }
0x7: {  	_ = 	snop  }
0x8: {  	(tm) =	ssettm $0x1  }
0x9: {  	s18 =	sld [smem:$0x3FFB];
	_ =	sdelay $0x3  }
0xa: {  	_ =	strace s18  }
0xb: {  	s1 =	sld [smem:$0x3FFC];
	_ =	sdelay $0x3  }
0xc: {  	_ =	strace s1  }
0xd: {  	s1 =	sld [smem:$0x3FFD];
	_ =	sdelay $0x3  }
0xe: {  	_ =	strace s1  }
0xf: {  	_ =	strace $0x8FFFFFFF  }
0x10: {  	s19 =	sld [smem:$0x3FDB];
	_ =	sdelay $0x1  }
0x11: {  	s20 =	simm.s32 $_scs_section_size  }
0x12: {  	s4 =	simm.s32 $_size__tile_overlayer_lowered;
	s5 =	simm.s32 $_tile_overlayer_lowered  }
0x13: {  	s23 =	simm.s32 $0x1BFF;
	s22 =	sshll.u32 s5, $0x1;
	s1 =	sadd.s32 s20, s19  }
0x14: {  	s6 =	simm.s32 $0x0;
	s21 =	sshll.u32 s4, $0x1;
	s4 =	sadd.s32 s22, s1  }
0x15: {  	[timem:s6], [sflag:s23] =	dma.local [hbm:s4], s21  }
0x16: {  	_ =	swait.ge [sflag:s23], s21  }
0x17: {  	s2 =	ssub.s32 $0x0, s21;
	[sflag:s23] =	ssyncset.done $0x0  }
0x18: {  	[sflag:s23] =	ssyncadd.s32 s2;
	_ =	sdelay $0x1  }
0x19: {  	s24 =	simm.s32 $0x1B8B  }
0x1a: {  	_ =	swait.ge [sflag:s24], $0x1  }
0x1b: {  	[sflag:s24] =	ssyncset.done $0x0  }
0x1c: {  	s26 =	simm.s32 $0x1B8E;
	s25 =	sld [smem:$0x3FFE];
	[sflag:s24] =	ssyncadd.s32 $0xFFFFFFFF  }
0x1d: {  	s27 =	simm.s32 $execute0_lowered;
	[smem:$0x3FD2] =	sst s26  }
0x1e: {  	s4 =	sshll.u32 s27, $0x1;
	_ =	strace $0x80000046;
	[dreg:$0x1] =	wrdreg $0xFFFFFFFF  }
0x1f: {  	s28 =	simm.s32 $_size_execute0_lowered;
	s1 =	sadd.s32 s1, s4;
	[dreg:$0x0] =	wrdreg $0x0  }
0x20: {  	s4 =	sshll.u32 s28, $0x1;
	[dreg:$0x2] =	wrdreg s1  }
0x21: {  	[dreg:$0x3] =	wrdreg s4  }
0x22: {  	[dreg:$0x4] =	wrdreg $0xC0  }
0x23: {  	_ =	task [dreg:s6], $0x5FFFF  }
0x24: {  	[dreg:$0x1] =	wrdreg $0xFFFFFFFF  }
0x25: {  	[dreg:$0x0] =	wrdreg $0x60  }
0x26: {  	[dreg:$0x2] =	wrdreg s25  }
0x27: {  	[dreg:$0x3] =	wrdreg $0x9  }
0x28: {  	_ =	task.clear_ibuf [dreg:s6], $0x4FFFF;
	_ =	strace $0x90000046  }
0x29: {  	s29 =	simm.s32 $0x9;
	_ =	strace $0x80000048  }
0x2a: {  	_ =	swait.ge [sflag:s29], $0x1  }
0x2b: {  	[sflag:s29] =	ssyncadd.s32 $0xFFFFFFFF  }
0x2c: {  	_ =	strace $0x90000048  }
0x2d: {  	_ =	sfence  }
0x2e: {  	s30 =	sld [smem:$0x0];
	_ =	sdelay $0x2  }
0x2f: {  	s31 =	sshll.u32 s3, $0xD;
	s3 =	sshrl.u32 s3, $0x2  }
0x30: {  	s2 =	sand.u32 $0x4000, s31;
	s1 =	sadd.s32 s3, s30  }
0x31: {  	s0 =	sor.u32 s2, s0;
	s1 =	sshll.u32 s1, $0x11  }
0x32: {  	s0 =	sor.u32 s1, s0  }
0x33: {  	s0 =	sadd.s32 $0x8F2B, s0  }
0x34: {  	[sflag:s0] =	ssyncadd.remote.s32 $0x1  }
0x35: {  	_ =	sfence.sel $0xFFFF  }
0x36: {  	[dreg:$0x0] =	wrdreg $0xFFFFFFFF;
	(pc) =	sbr.abs _section_cstart, $3  }
0x37: {  	[dreg:$0x1] =	wrdreg $0xFFFFFFFF  }
0x38: {  	_ =	task.clear_ibuf [dreg:s6], $0x2FFFF;
	_ =	strace $0x9FFFFFFF  }
0x39: {  	(tm) =	ssettm $0x7FFFFFFF  }
tec
execute0_lowered:
.L_overlay_start_1:
0x0: {  	(tag) =	ssettag $0x1  }
0x1: {  	s0 =	srdreg.scid  }
0x2: {  	s5 =	rddreg [dreg:$0x0];
	s1 =	stileid.u32;
	s4 =	simm.s32 $0x1  }
0x3: {  	s6 =	simm.s32 $0x2;
	s8 =	simm.s32 $0x0;
	s2 =	sshll.u32 s0, $0x4  }
0x4: {  	s9 =	simm.s32 $0x0;
	s13 =	simm.s32 $0x0;
	s2 =	sand.u32 $0x10, s2  }
.Ltmp0:
0x5: {  	s10 =	simm.s32 $0x0;
	s3 =	sor.u32 s1, s2;
	(pc) =	sbr.rel .LBB1_1-.Ltmp0, $4  }
0x6: {  	s0 =	rddreg [dreg:$0x1];
	_ =	strace $0x80000047;
	s3 =	sshll.u32 s3, $0x4  }
0x7: {  	s12 =	simm.s32 $0x0;
	[sflag:s4] =	ssyncpa.u1 $0x0;
	s7 =	ssub.s32 $0x7A10, s3  }
0x8: {  	s2 =	sadd.s32 $0x1000, s5;
	[sflag:s6] =	ssyncpa.u1 $0x0;
	s6 =	sshrl.u32 s7, $0x9  }
0x9: {  	s5 =	sadd.s32 $0x3D1A00, s5;
	s11 =	smov.u32 s3;
	s7 =	sor.u32 $0x2, s6  }
.LBB1_7:
0xa: {  	s15 =	sshll.u32 s12, $0xF  }
0xb: {  	s15 =	sand.u32 $0x8000, s15  }
0xc: {  	s16 =	sshll.u32 s10, $0x7;
	s15 =	sshrl.u32 s15, $0x1  }
0xd: {  	s16 =	sadd.s32 s5, s16;
	s15 =	sor.u32 $0x8000, s15  }
0xe: {  	[hbm4b:s16+s8] =	stream.linear.scatter [tilespmem:s15], [sflag:$0x2], s14, $0x38;
	[tilespmem:$0x10000] =	vst v63  }
.LBB1_8:
0xf: {  	p0 =	slt.u32 s12, $0x2  }
0x10: {  	p1 =	sgt.s32 @!p0 s13, $0x7A02  }
0x11: {  	s14 =	smov.u32 s13;
	s15 =	sshra.s32 @!p0 s13, $0x1F;
	p1 =	por !p1, p0  }
0x12: {  	s13 =	sand.u32 @!p0 s15, s13;
	s14 =	simm.s32 @p1 $0x7A02  }
0x13: {  	s13 =	ssub.s32 @!p0 s14, s13  }
0x14: {  	s13 =	sadd.s32 @!p0 $0xFFFF85FE, s13  }
0x15: {  	s14 =	sshll.u32 @!p0 s13, $0xC  }
0x16: {  	p1 =	sgt.s32 @!p0 s13, $0xF;
	s13 =	ssub.s32 @!p0 $0x10000, s14  }
0x17: {  	s15 =	sadd.s32 $0x200, s11;
	p1 =	por !p1, p0;
	s13 =	sshrl.u32 @!p0 s13, $0x2  }
0x18: {  	s13 =	simm.s32 @!p1 $0x0;
	p1 =	sgt.s32 s15, $0x7A11  }
0x19: {  	s15 =	smov.u32 @p1 s3;
	p1 =	sne.s32 s12, s7  }
.Ltmp1:
0x1a: {  	_ = 	snop;
	(pc) =	sbr.rel @!p1 .LBB1_9-.Ltmp1, $4  }
0x1b: {  	s14 =	simm.s32 @!p0 $0x2  }
0x1c: {  	s9 =	sadd.s32 $0x8000, s9;
	_ =	swait.ge @!p0 [sflag:s14], s13;
	s16 =	ssub.s32 @!p0 $0x0, s13  }
0x1d: {  	s13 =	smov.u32 s10;
	s12 =	sadd.s32 $0x1, s12;
	[sflag:s14] =	ssyncset.done @!p0 $0x0  }
0x1e: {  	s10 =	smov.u32 s11;
	s11 =	smov.u32 s15;
	[sflag:s14] =	ssyncadd.s32 @!p0 s16  }
.LBB1_1:
0x1f: {  	p0 =	sgt.u32 s12, s6  }
0x20: {  	p1 =	sgt.s32 @!p0 s11, $0x7A02  }
0x21: {  	s14 =	smov.u32 s11;
	s15 =	sshra.s32 @!p0 s11, $0x1F;
	p1 =	por !p1, p0  }
0x22: {  	s15 =	sand.u32 @!p0 s15, s11;
	s14 =	simm.s32 @p1 $0x7A02  }
0x23: {  	s14 =	ssub.s32 @!p0 s14, s15  }
0x24: {  	s14 =	sadd.s32 @!p0 $0xFFFF85FE, s14  }
0x25: {  	s16 =	sshll.u32 @!p0 s11, $0x7;
	s17 =	simm.s32 @!p0 $0x0;
	s15 =	sshll.u32 @!p0 s14, $0xC  }
0x26: {  	p1 =	sgt.s32 @!p0 s14, $0xF;
	s14 =	ssub.s32 @!p0 $0x10000, s15;
	s15 =	sxor.u32 @!p0 $0xFFFFFFFF, s12  }
0x27: {  	p1 =	por !p1, p0;
	s14 =	sshrl.u32 @!p0 s14, $0x2;
	s15 =	sshll.u32 @!p0 s15, $0xE  }
0x28: {  	s16 =	sadd.s32 @!p0 s2, s16;
	s14 =	simm.s32 @!p1 $0x0;
	s15 =	sand.u32 @!p0 $0x4000, s15  }
0x29: {  	[tilespmem:s15], [sflag:$0x1] =	stream.linear.gather @!p0 [hbm4b:s16+s17], s14, $0x38;
	[tilespmem:$0x10000] =	vst v63  }
0x2a: {  	p0 =	seq.s32 s12, $0x0  }
0x2b: {  	p1 =	sge.u32 @!p0 s12, s7  }
0x2c: {  	p0 =	por p0, p1  }
.Ltmp2:
0x2d: {  	_ = 	snop;
	(pc) =	sbr.rel @p0 .LBB1_8-.Ltmp2, $1  }
0x2e: {  	_ =	sdelay $0x3  }
0x2f: {  	p0 =	sgt.s32 s10, $0x7A02;
	s14 =	smov.u32 s10;
	s15 =	sshra.s32 s10, $0x1F  }
0x30: {  	s14 =	simm.s32 @!p0 $0x7A02;
	s15 =	sand.u32 s15, s10  }
0x31: {  	s14 =	ssub.s32 s14, s15  }
0x32: {  	s16 =	sadd.s32 $0x10, s10;
	s14 =	sadd.s32 $0xFFFF85FE, s14  }
0x33: {  	p1 =	slt.s32 s16, $0x7A12;
	s30 =	sshll.u32 s14, $0xC  }
0x34: {  	s16 =	simm.s32 @!p1 $0x7A12;
	s15 =	ssub.s32 $0x10000, s30  }
0x35: {  	p0 =	sgt.s32 s14, $0xF;
	s14 =	sshrl.u32 s15, $0x2;
	s15 =	ssub.s32 s16, s10  }
0x36: {  	s14 =	simm.s32 @p0 $0x0;
	p0 =	slt.s32 s15, $0x1  }
.Ltmp3:
0x37: {  	_ = 	snop;
	(pc) =	sbr.rel @p0 .LBB1_7-.Ltmp3, $4  }
0x38: {  	_ = 	snop  }
0x39: {  	_ =	swait.ge [sflag:s4], s14  }
0x3a: {  	s31 =	ssub.s32 $0x0, s14;
	[sflag:s4] =	ssyncset.done $0x0  }
0x3b: {  	[sflag:s4] =	ssyncadd.s32 s31  }
0x3c: {  	s16 =	sshrl.u32 s9, $0x1  }
0x3d: {  	s17 =	sand.u32 $0x4000, s16  }
0x3e: {  	s18 =	simm.s32 $0x0;
	s16 =	sor.u32 $0x200, s17;
	s17 =	sor.u32 $0x8080, s17  }
.LBB1_4:
0x3f: {  	v0 =	vld [tilespmem:s16+$0xFFFFFE70]  }
0x40: {  	v1 =	vld [tilespmem:s16+$0x70]  }
0x41: {  	v2 =	vld [tilespmem:s16+$0x0]  }
0x42: {  	v3 =	vld [tilespmem:s16+$0xFFFFFE10]  }
0x43: {  	v4 =	vld [tilespmem:s16+$0x10]  }
0x44: {  	v5 =	vld [tilespmem:s16+$0xFFFFFE20]  }
0x45: {  	v7 =	vld [tilespmem:s16+$0x20]  }
0x46: {  	v11 =	vld [tilespmem:s16+$0x30];
	v6 =	vunpack.i.l.s16.s32 v0;
	v8 =	vunpack.i.u.s16.s32 v0;
	v9 =	vunpack.i.u.s16.s32 v1  }
0x47: {  	v10 =	vunpack.i.l.s16.s32 v1;
	v0 =	vunpack.i.u.s16.s32 v2;
	v1 =	vunpack.i.l.s16.s32 v2;
	v2 =	vld [tilespmem:s16+$0xFFFFFE30]  }
0x48: {  	v8 =	vpack.i.b32.b16 v9, v8;
	v9 =	vunpack.i.u.s16.s32 v3;
	v3 =	vunpack.i.l.s16.s32 v3  }
0x49: {  	v12 =	vld [tilespmem:s16+$0xFFFFFE40];
	v6 =	vpack.i.b32.b16 v10, v6;
	[tilespmem:s17+$0x70] =	vst v8;
	v8 =	vunpack.i.u.s16.s32 v4;
	v4 =	vunpack.i.l.s16.s32 v4  }
0x4a: {  	v13 =	vld [tilespmem:s16+$0x40];
	v10 =	vunpack.i.u.s16.s32 v5;
	v5 =	vunpack.i.l.s16.s32 v5;
	[tilespmem:s17+$0xFFFFFFF0] =	vst v6;
	v3 =	vpack.i.b32.b16 v4, v3  }
0x4b: {  	v6 =	vunpack.i.l.s16.s32 v7;
	v4 =	vld [tilespmem:s16+$0xFFFFFE50];
	[tilespmem:s17+$0xFFFFFF90] =	vst v3;
	v3 =	vpack.i.b32.b16 v8, v9;
	v8 =	vunpack.i.u.s16.s32 v7  }
0x4c: {  	v7 =	vunpack.i.l.s16.s32 v11;
	[tilespmem:s17+$0x10] =	vst v3;
	v3 =	vpack.i.b32.b16 v6, v5;
	v9 =	vunpack.i.u.s16.s32 v2;
	v6 =	vld [tilespmem:s16+$0x50]  }
0x4d: {  	v5 =	vunpack.i.l.s16.s32 v2;
	v2 =	vld [tilespmem:s16+$0xFFFFFE60];
	[tilespmem:s17+$0xFFFFFFA0] =	vst v3;
	v3 =	vpack.i.b32.b16 v8, v10;
	v10 =	vunpack.i.u.s16.s32 v11  }
0x4e: {  	s21 =	simm.s32 $0x0;
	v11 =	vpack.i.b32.b16 v7, v5;
	v7 =	vunpack.i.u.s16.s32 v12;
	v8 =	vunpack.i.l.s16.s32 v12;
	[tilespmem:s17+$0x20] =	vst v3;
	v3 =	vld [tilespmem:s16+$0x60]  }
0x4f: {  	s22 =	sadd.s32 $0x80, s16;
	s20 =	smov.u32 s17;
	s19 =	smov.u32 s17;
	v5 =	vld [tilespmem:s16+$0xFFFFFE00];
	[tilespmem:s17+$0xFFFFFFB0] =	vst v11;
	v10 =	vpack.i.b32.b16 v10, v9;
	v9 =	vunpack.i.u.s16.s32 v13;
	v11 =	vunpack.i.l.s16.s32 v13  }
.LBB1_5:
0x50: {  	v12 =	vld [tilespmem:s22+$0xFFFFFE70];
	[tilespmem:s20+$0x30] =	vst v10;
	v8 =	vpack.i.b32.b16 v11, v8;
	v10 =	vunpack.i.u.s16.s32 v4;
	v4 =	vunpack.i.l.s16.s32 v4  }
0x51: {  	s21 =	sadd.s32 $0x2, s21;
	v7 =	vpack.i.b32.b16 v9, v7;
	v11 =	vld [tilespmem:s22+$0x70];
	[tilespmem:s20+$0xFFFFFFC0] =	vst v8;
	v8 =	vunpack.i.u.s16.s32 v6;
	v6 =	vunpack.i.l.s16.s32 v6  }
0x52: {  	p0 =	slt.u32 s21, $0x6;
	v9 =	vld [tilespmem:s22+$0x0];
	[tilespmem:s20+$0x40] =	vst v7;
	v4 =	vpack.i.b32.b16 v6, v4;
	v6 =	vunpack.i.u.s16.s32 v2;
	v2 =	vunpack.i.l.s16.s32 v2  }
0x53: {  	v7 =	vld [tilespmem:s22+$0xFFFFFE10];
	[tilespmem:s20+$0xFFFFFFD0] =	vst v4;
	v4 =	vpack.i.b32.b16 v8, v10;
	v8 =	vunpack.i.u.s16.s32 v3;
	v3 =	vunpack.i.l.s16.s32 v3  }
0x54: {  	v10 =	vld [tilespmem:s22+$0x10];
	v13 =	vunpack.i.u.s16.s32 v5;
	v5 =	vunpack.i.l.s16.s32 v5;
	[tilespmem:s20+$0x50] =	vst v4;
	v2 =	vpack.i.b32.b16 v3, v2  }
0x55: {  	v3 =	vld [tilespmem:s22+$0xFFFFFE20];
	v4 =	vunpack.i.l.s16.s32 v12;
	v1 =	vpack.i.b32.b16 v1, v5;
	v5 =	vpack.i.b32.b16 v0, v13;
	[tilespmem:s20+$0xFFFFFFE0] =	vst v2  }
0x56: {  	v12 =	vunpack.i.u.s16.s32 v12;
	v2 =	vld [tilespmem:s22+$0x20];
	v13 =	vunpack.i.u.s16.s32 v11;
	v11 =	vunpack.i.l.s16.s32 v11;
	[tilespmem:s20+$0xFFFFFF80] =	vst v1  }
0x57: {  	s20 =	sadd.s32 $0x100, s20;
	v0 =	vunpack.i.u.s16.s32 v9;
	v1 =	vunpack.i.l.s16.s32 v9;
	v9 =	vld [tilespmem:s22+$0xFFFFFE30];
	v12 =	vpack.i.b32.b16 v13, v12;
	[tilespmem:s19+$0x0] =	vst v5  }
0x58: {  	v6 =	vpack.i.b32.b16 v8, v6;
	v5 =	vunpack.i.u.s16.s32 v7;
	v7 =	vunpack.i.l.s16.s32 v7;
	v13 =	vld [tilespmem:s22+$0x30];
	[tilespmem:s20+$0x70] =	vst v12  }
0x59: {  	v4 =	vpack.i.b32.b16 v11, v4;
	v8 =	vunpack.i.u.s16.s32 v10;
	v10 =	vunpack.i.l.s16.s32 v10;
	v12 =	vld [tilespmem:s22+$0xFFFFFE40];
	[tilespmem:s19+$0x60] =	vst v6;
	s19 =	smov.u32 s20  }
0x5a: {  	v6 =	vpack.i.b32.b16 v10, v7;
	v7 =	vunpack.i.u.s16.s32 v3;
	v3 =	vunpack.i.l.s16.s32 v3;
	v11 =	vld [tilespmem:s22+$0x40];
	[tilespmem:s20+$0xFFFFFFF0] =	vst v4  }
.Ltmp4:
0x5b: {  	v5 =	vpack.i.b32.b16 v8, v5;
	[tilespmem:s20+$0xFFFFFF90] =	vst v6;
	v8 =	vunpack.i.u.s16.s32 v2;
	v2 =	vunpack.i.l.s16.s32 v2;
	v4 =	vld [tilespmem:s22+$0xFFFFFE50];
	(pc) =	sbr.rel @p0 .LBB1_5-.Ltmp4, $4  }
0x5c: {  	[tilespmem:s20+$0x10] =	vst v5;
	v2 =	vpack.i.b32.b16 v2, v3;
	v10 =	vunpack.i.u.s16.s32 v9;
	v3 =	vunpack.i.l.s16.s32 v9;
	v6 =	vld [tilespmem:s22+$0x50]  }
0x5d: {  	v5 =	vpack.i.b32.b16 v8, v7;
	[tilespmem:s20+$0xFFFFFFA0] =	vst v2;
	v9 =	vunpack.i.u.s16.s32 v13;
	v7 =	vunpack.i.l.s16.s32 v13;
	v2 =	vld [tilespmem:s22+$0xFFFFFE60]  }
0x5e: {  	[tilespmem:s20+$0x20] =	vst v5;
	v13 =	vpack.i.b32.b16 v7, v3;
	v7 =	vunpack.i.u.s16.s32 v12;
	v8 =	vunpack.i.l.s16.s32 v12;
	v3 =	vld [tilespmem:s22+$0x60]  }
0x5f: {  	v10 =	vpack.i.b32.b16 v9, v10;
	v5 =	vld [tilespmem:s22+$0xFFFFFE00];
	[tilespmem:s20+$0xFFFFFFB0] =	vst v13;
	v9 =	vunpack.i.u.s16.s32 v11;
	v11 =	vunpack.i.l.s16.s32 v11;
	s22 =	sadd.s32 $0x80, s22  }
0x60: {  	[tilespmem:s20+$0x30] =	vst v10;
	v8 =	vpack.i.b32.b16 v11, v8  }
0x61: {  	v51 =	vunpack.i.l.s16.s32 v4;
	v7 =	vpack.i.b32.b16 v9, v7;
	[tilespmem:s20+$0xFFFFFFC0] =	vst v8;
	v52 =	vunpack.i.l.s16.s32 v6  }
0x62: {  	v53 =	vunpack.i.u.s16.s32 v4;
	s18 =	sadd.s32 $0x1, s18;
	v54 =	vunpack.i.u.s16.s32 v6;
	[tilespmem:s20+$0x40] =	vst v7;
	v55 =	vpack.i.b32.b16 v52, v51  }
0x63: {  	p0 =	sne.s32 s18, s15;
	v56 =	vunpack.i.l.s16.s32 v2;
	v4 =	vpack.i.b32.b16 v54, v53;
	[tilespmem:s20+$0xFFFFFFD0] =	vst v55;
	v57 =	vunpack.i.l.s16.s32 v3  }
.Ltmp5:
0x64: {  	[tilespmem:s20+$0x50] =	vst v4;
	v58 =	vunpack.i.l.s16.s32 v5;
	v59 =	vpack.i.b32.b16 v57, v56;
	(pc) =	sbr.rel @p0 .LBB1_4-.Ltmp5, $4  }
.Ltmp6:
0x65: {  	v61 =	vunpack.i.u.s16.s32 v2;
	v62 =	vunpack.i.u.s16.s32 v3;
	v1 =	vpack.i.b32.b16 v1, v58;
	[tilespmem:s20+$0xFFFFFFE0] =	vst v59;
	(pc) =	sbr.rel @!p0 .LBB1_7-.Ltmp6, $4  }
0x66: {  	v60 =	vunpack.i.u.s16.s32 v5;
	v63 =	vpack.i.b32.b16 v62, v61;
	[tilespmem:s20+$0xFFFFFF80] =	vst v1  }
0x67: {  	v0 =	vpack.i.b32.b16 v0, v60;
	[tilespmem:s19+$0x60] =	vst v63  }
0x68: {  	s16 =	sadd.s32 $0x400, s16;
	s17 =	sadd.s32 $0x400, s17;
	[tilespmem:s19+$0x0] =	vst v0  }
0x69: {  	_ = 	snop  }
.LBB1_9:
0x6a: {  	_ =	sfence.sel $0x180000  }
0x6b: {  	s2 =	simm.s32 $0x1;
	[bflag:$0x0] =	sbarrier.arrive $0xFFFF  }
0x6c: {  	s31 =	simm.s32 $0x2;
	[sflag:s2] =	ssyncpa.u1 $0x1  }
0x6d: {  	[sflag:s31] =	ssyncpa.u1 $0x1  }
0x6e: {  	p0 =	sne.s32 s1, $0x0;
	_ =	strace $0x90000047  }
0x6f: {  	s0 =	sadd.s32 @!p0 $0x100000, s0;
	[bflag:$0x2] =	sbarrier.arrive $0xFFFF  }
0x70: {  	[sflag:s0] =	ssyncadd.tile.s32 @!p0 $0x1;
	_ =	shalt  }
.Lfunc_end1:
_tile_overlayer_lowered:
.L_overlay_start_2:
0x71: {  	(tag) =	ssettag $0x2  }
0x72: {  	s0 =	rddreg [dreg:$0x0];
	s2 =	stileid.u32  }
0x73: {  	s1 =	rddreg [dreg:$0x1];
	p0 =	sne.s32 s2, $0x0  }
0x74: {  	s3 =	rddreg [dreg:$0x2];
	[bflag:$0x3] =	sbarrier.arrive $0xFFFF;
	s2 =	simm.s32 @!p0 $0x1C01  }
0x75: {  	[timem:s3], [sflag:s2] =	dma.local @!p0 [hbm:s0], s1  }
0x76: {  	s0 =	simm.s32 @!p0 $0x1  }
0x77: {  	_ =	swait.ge @!p0 [sflag:s0], s1  }
0x78: {  	s1 =	ssub.s32 @!p0 $0x0, s1;
	[sflag:s0] =	ssyncset.done @!p0 $0x0  }
0x79: {  	[sflag:s0] =	ssyncadd.s32 @!p0 s1  }
0x7a: {  	[bflag:$0x3] =	sbarrier.arrive $0xFFFF  }
0x7b: {  	_ =	shalt  }

// kernel: sparse-core-data-format-call.cloned.1.call-start
scs
called_computation_lowered:
.L_overlay_start_0:
0x0: {  	s2 =	sld [smem:$0x3FD9]  }
0x1: {  	s3 =	sld [smem:$0x3FFE];
	_ =	sdelay $0x1  }
0x2: {  	s1 =	srdreg.scid  }
0x3: {  	s0 =	sand.u32 $0x1, s1  }
0x4: {  	s18 =	sshll.u32 s0, $0xA;
	s2 =	sadd.s32 s3, s2  }
0x5: {  	s2 =	sadd.s32 s2, s18  }
0x6: {  	[smem:$0x3FC6] =	sst s2  }
0x7: {  	_ = 	snop  }
0x8: {  	s2 =	sld [smem:$0x3FD0];
	(tm) =	ssettm $0x1  }
0x9: {  	s19 =	sld [smem:$0x3FFB];
	_ =	sdelay $0x3  }
0xa: {  	_ =	strace s19  }
0xb: {  	s3 =	sld [smem:$0x3FFC];
	_ =	sdelay $0x3  }
0xc: {  	_ =	strace s3  }
0xd: {  	s3 =	sld [smem:$0x3FFD];
	_ =	sdelay $0x3  }
0xe: {  	_ =	strace s3  }
0xf: {  	_ =	strace $0x8FFFFFFF  }
0x10: {  	s20 =	sld [smem:$0x3FDB];
	_ =	sdelay $0x1  }
0x11: {  	s4 =	simm.s32 $_scs_section_size  }
0x12: {  	s5 =	simm.s32 $_size__tile_overlayer_lowered;
	s6 =	simm.s32 $_tile_overlayer_lowered  }
0x13: {  	s23 =	simm.s32 $0x1BFF;
	s22 =	sshll.u32 s6, $0x1;
	s3 =	sadd.s32 s4, s20  }
0x14: {  	s7 =	simm.s32 $0x0;
	s21 =	sshll.u32 s5, $0x1;
	s5 =	sadd.s32 s22, s3  }
0x15: {  	[timem:s7], [sflag:s23] =	dma.local [hbm:s5], s21  }
0x16: {  	_ =	swait.ge [sflag:s23], s21  }
0x17: {  	s4 =	ssub.s32 $0x0, s21;
	[sflag:s23] =	ssyncset.done $0x0  }
0x18: {  	[sflag:s23] =	ssyncadd.s32 s4;
	_ =	sdelay $0x1  }
0x19: {  	s24 =	simm.s32 $0x1B8B  }
0x1a: {  	_ =	swait.ge [sflag:s24], $0x1  }
0x1b: {  	[sflag:s24] =	ssyncset.done $0x0  }
0x1c: {  	s26 =	simm.s32 $0x1B8E;
	s25 =	sld [smem:$0x3FFE];
	[sflag:s24] =	ssyncadd.s32 $0xFFFFFFFF  }
0x1d: {  	s27 =	simm.s32 $execute0_lowered;
	[smem:$0x3FD2] =	sst s26  }
0x1e: {  	s5 =	sshll.u32 s27, $0x1;
	_ =	strace $0x8000004C;
	[dreg:$0x1] =	wrdreg $0xFFFFFFFF  }
0x1f: {  	s28 =	simm.s32 $_size_execute0_lowered;
	s3 =	sadd.s32 s3, s5;
	[dreg:$0x0] =	wrdreg $0x0  }
0x20: {  	s5 =	sshll.u32 s28, $0x1;
	[dreg:$0x2] =	wrdreg s3  }
0x21: {  	[dreg:$0x3] =	wrdreg s5  }
0x22: {  	[dreg:$0x4] =	wrdreg $0xC0  }
0x23: {  	_ =	task [dreg:s7], $0x5FFFF  }
0x24: {  	[dreg:$0x1] =	wrdreg $0xFFFFFFFF  }
0x25: {  	[dreg:$0x0] =	wrdreg $0x60  }
0x26: {  	[dreg:$0x2] =	wrdreg s25  }
0x27: {  	[dreg:$0x3] =	wrdreg s2  }
0x28: {  	[dreg:$0x4] =	wrdreg $0x9  }
0x29: {  	_ =	task.clear_ibuf [dreg:s7], $0x5FFFF;
	_ =	strace $0x9000004C  }
0x2a: {  	s29 =	simm.s32 $0x9;
	_ =	strace $0x8000004E  }
0x2b: {  	_ =	swait.ge [sflag:s29], $0x1  }
0x2c: {  	[sflag:s29] =	ssyncadd.s32 $0xFFFFFFFF  }
0x2d: {  	_ =	strace $0x9000004E  }
0x2e: {  	_ =	sfence  }
0x2f: {  	s30 =	sld [smem:$0x0];
	_ =	sdelay $0x2  }
0x30: {  	s31 =	sshll.u32 s1, $0xD;
	s1 =	sshrl.u32 s1, $0x2  }
0x31: {  	s3 =	sand.u32 $0x4000, s31;
	s1 =	sadd.s32 s1, s30  }
0x32: {  	s0 =	sor.u32 s3, s0;
	s1 =	sshll.u32 s1, $0x11  }
0x33: {  	s0 =	sor.u32 s1, s0  }
0x34: {  	s0 =	sadd.s32 $0x8F2B, s0  }
0x35: {  	[sflag:s0] =	ssyncadd.remote.s32 $0x1  }
0x36: {  	_ =	sfence.sel $0xFFFF  }
0x37: {  	[dreg:$0x0] =	wrdreg $0xFFFFFFFF;
	(pc) =	sbr.abs _section_cstart, $3  }
0x38: {  	[dreg:$0x1] =	wrdreg $0xFFFFFFFF  }
0x39: {  	_ =	task.clear_ibuf [dreg:s7], $0x2FFFF;
	_ =	strace $0x9FFFFFFF  }
0x3a: {  	(tm) =	ssettm $0x7FFFFFFF  }
0x3b: {  	_ =	shalt  }
tec
execute0_lowered:
.L_overlay_start_1:
0x0: {  	(tag) =	ssettag $0x1  }
0x1: {  	s0 =	srdreg.scid  }
0x2: {  	s1 =	sshll.u32 s0, $0x4  }
0x3: {  	s0 =	stileid.u32;
	s1 =	sand.u32 $0x10, s1  }
0x4: {  	s1 =	sor.u32 s0, s1  }
0x5: {  	s6 =	rddreg [dreg:$0x0];
	s4 =	simm.s32 $0x1;
	s2 =	sshll.u32 s1, $0x7  }
0x6: {  	s7 =	simm.s32 $0x2;
	s13 =	simm.s32 $0x0;
	s1 =	ssub.s32 $0x1000, s2  }
0x7: {  	s8 =	simm.s32 $0x8000;
	s12 =	simm.s32 $0x0;
	s3 =	sand.u32 $0xF80, s1  }
0x8: {  	s9 =	simm.s32 $0x0;
	s5 =	sshrl.u32 s1, $0xC;
	p0 =	sne.s32 s3, $0x0  }
.Ltmp0:
0x9: {  	s1 =	rddreg [dreg:$0x2];
	s4 =	simm.s32 @!p0 $0x0;
	(pc) =	sbr.rel .LBB1_1-.Ltmp0, $4  }
0xa: {  	s11 =	simm.s32 $0x0;
	s3 =	rddreg [dreg:$0x1];
	s5 =	sadd.s32 s4, s5  }
0xb: {  	_ =	strace $0x8000004D;
	s4 =	simm.s32 $0x1;
	s5 =	smul.u32 $0x32, s5  }
0xc: {  	s6 =	sadd.s32 $0x1000, s6;
	s10 =	smov.u32 s2;
	[sflag:s4] =	ssyncpa.u1 $0x0  }
0xd: {  	p0 =	por $0x0, $0x0;
	[sflag:s7] =	ssyncpa.u1 $0x0;
	s7 =	sor.u32 $0x1, s5  }
.LBB1_4:
0xe: {  	v5 =	vld [tilespmem:s16+$0xFFFFFFD0];
	[tilespmem:s17+$0x2040 ss:$0x81] =	vst.msk $0xffff, v3  }
0xf: {  	v58 =	vld [tilespmem:s16+$0xFFFFFFE0];
	[tilespmem:s17+$0x2850 ss:$0x81] =	vst.msk $0xffff, v4;
	s19 =	sshll.u32 s13, $0xC;
	s20 =	sshll.u32 s12, $0x3  }
0x10: {  	s18 =	sshra.s32 s18, $0x2;
	v59 =	vld [tilespmem:s16+$0xFFFFFFF0];
	[tilespmem:s17+$0x3060 ss:$0x81] =	vst.msk $0xffff, v2;
	s19 =	sand.u32 $0xFFFF8000, s19;
	s21 =	sand.u32 $0xFFFFFC00, s20  }
0x11: {  	[tilespmem:s17+$0x0 ss:$0x81] =	vst.msk $0xffff, v0;
	v60 =	vld [tilespmem:s16+$0x0];
	s15 =	sadd.s32 s18, s15;
	s25 =	sadd.s32 s21, s19  }
0x12: {  	v61 =	vld [tilespmem:s16+$0x10];
	[tilespmem:s15+$0x3870 ss:$0x81] =	vst.msk $0xffff, v1;
	s17 =	sshrl.u32 s25, $0xC  }
0x13: {  	v62 =	vld [tilespmem:s16+$0x20];
	s26 =	smulhi.u32 $0xA3D71, s17;
	[tilespmem:s15+$0x810 ss:$0x81] =	vst.msk $0xffff, v5  }
0x14: {  	v63 =	vld [tilespmem:s16+$0xFFFFFFC0];
	s27 =	sand.u32 $0x78, s12;
	s28 =	sshll.u32 s13, $0x7;
	s29 =	sand.u32 $0xC00, s20;
	[tilespmem:s15+$0x1020 ss:$0x81] =	vst.msk $0xffff, v58  }
0x15: {  	s13 =	sand.u32 $0x380, s28;
	s16 =	sor.u32 s27, s29;
	[tilespmem:s15+$0x1830 ss:$0x81] =	vst.msk $0xffff, v59;
	s18 =	smul.u32 $0x1900, s26  }
0x16: {  	s13 =	sor.u32 s13, s16;
	[tilespmem:s15+$0x2040 ss:$0x81] =	vst.msk $0xffff, v60  }
0x17: {  	s31 =	sand.u32 $0x7, s12;
	s13 =	sshrl.u32 s13, $0x3;
	[tilespmem:s15+$0x2850 ss:$0x81] =	vst.msk $0xffff, v61;
	s30 =	ssub.s32 s17, s18  }
0x18: {  	s12 =	sshll.u32 s31, $0x12;
	[tilespmem:s15+$0x3060 ss:$0x81] =	vst.msk $0xffff, v62;
	s13 =	sadd.s32 s3, s13;
	s16 =	sshll.u32 s30, $0x9  }
0x19: {  	s12 =	sor.u32 $0x400, s12;
	[tilespmem:s15+$0x0 ss:$0x81] =	vst.msk $0xffff, v63;
	s13 =	sadd.s32 s16, s13  }
0x1a: {  	[hbm4b:s13+s12] =	stream.strided.scatter [tilespmem:s14], [sflag:$0x2], $0x4000, s8, s12, $0x20;
	[tilespmem:$0x10100] =	vst v63  }
.LBB1_5:
0x1b: {  	s14 =	sadd.s32 $0x80, s9  }
0x1c: {  	s12 =	sadd.s32 $0x1000, s10;
	s16 =	smov.u32 s10;
	p2 =	sgt.s32 s14, $0x18FF  }
0x1d: {  	s16 =	smov.u32 @p2 s12  }
0x1e: {  	s14 =	simm.s32 @p2 $0x0;
	p2 =	sgt.s32 s16, $0xFFF  }
0x1f: {  	s16 =	smov.u32 @p2 s2;
	p2 =	sne.s32 s11, s7  }
.Ltmp1:
0x20: {  	p1 =	slt.u32 s11, $0x2;
	(pc) =	sbr.rel @!p2 .LBB1_6-.Ltmp1, $4  }
0x21: {  	s15 =	simm.s32 @!p1 $0x2  }
0x22: {  	s13 =	smov.u32 s9;
	p0 =	por !p0, !p0;
	_ =	swait.ge @!p1 [sflag:s15], $0x4000  }
0x23: {  	s12 =	smov.u32 s10;
	[sflag:s15] =	ssyncset.done @!p1 $0x0;
	s9 =	smov.u32 s14  }
0x24: {  	s11 =	sadd.s32 $0x1, s11;
	[sflag:s15] =	ssyncadd.s32 @!p1 $0xFFFFC000;
	s10 =	smov.u32 s16  }
.LBB1_1:
0x25: {  	p1 =	sge.u32 s11, s5  }
0x26: {  	s14 =	sshrl.u32 @!p1 s10, $0x3  }
0x27: {  	s15 =	sshll.u32 @!p1 s9, $0x3;
	s14 =	smul.u32 @!p1 $0xC800, s14  }
0x28: {  	s16 =	sshll.u32 @!p1 s10, $0x7;
	s15 =	sand.u32 @!p1 $0xFFFFFC00, s15  }
0x29: {  	s14 =	sadd.s32 @!p1 s14, s15;
	s15 =	sand.u32 @!p1 $0x380, s16  }
0x2a: {  	s16 =	sand.u32 @!p1 $0x7F, s9;
	s14 =	sor.u32 @!p1 s15, s14  }
0x2b: {  	s15 =	sor.u32 @!p1 s16, s14  }
0x2c: {  	s16 =	smulhi.u32 @!p1 $0x51EB851F, s15;
	_ =	sdelay $0x1  }
0x2d: {  	s14 =	smulhi.u32 @!p1 $0x51EB851F, s14;
	s16 =	sshrl.u32 @!p1 s16, $0xB  }
0x2e: {  	s16 =	smul.u32 @!p1 $0x1900, s16  }
0x2f: {  	s31 =	sadd.s32 $0xFFFFFFFF, s11;
	s17 =	sxor.u32 @!p1 $0xFFFFFFFF, s11;
	s14 =	sshrl.u32 @!p1 s14, $0xB  }
0x30: {  	s17 =	sshll.u32 @!p1 s17, $0xE;
	s14 =	sand.u32 @!p1 $0xFFF, s14;
	s15 =	ssub.s32 @!p1 s15, s16  }
0x31: {  	s14 =	smul.u32 @!p1 $0x320, s14;
	s16 =	sshrl.u32 @!p1 s15, $0x3;
	s15 =	sand.u32 @!p1 $0x7, s15  }
0x32: {  	s17 =	sand.u32 @!p1 $0x4000, s17;
	s16 =	sadd.s32 @!p1 s6, s16;
	s15 =	sshll.u32 @!p1 s15, $0x12  }
0x33: {  	s14 =	sadd.s32 @!p1 s14, s16;
	s15 =	sor.u32 @!p1 $0x400, s15;
	s16 =	simm.s32 @!p1 $0xC800  }
0x34: {  	[tilespmem:s17], [sflag:$0x1] =	stream.strided.gather @!p1 [hbm4b:s14+s15], $0x4000, s16, s15, $0x38;
	[tilespmem:$0x10100] =	vst v63  }
0x35: {  	p1 =	sge.u32 s31, s5  }
.Ltmp2:
0x36: {  	_ = 	snop;
	(pc) =	sbr.rel @p1 .LBB1_5-.Ltmp2, $1  }
0x37: {  	_ =	sdelay $0x3  }
0x38: {  	s14 =	simm.s32 $0x1  }
0x39: {  	_ =	swait.ge [sflag:s4], $0x4000;
	s14 =	simm.s32 @!p0 $0x0  }
0x3a: {  	[sflag:s4] =	ssyncset.done $0x0;
	s15 =	sshll.u32 s14, $0xE  }
0x3b: {  	[sflag:s4] =	ssyncadd.s32 $0xFFFFC000;
	s16 =	sor.u32 $0x40, s15  }
0x3c: {  	s14 =	smul.u32 $0x10200, s14;
	v0 =	vld [tilespmem:s16+$0x30]  }
0x3d: {  	v1 =	vld [tilespmem:s16+$0xFFFFFFD0]  }
0x3e: {  	s14 =	sshrl.u32 s14, $0x2;
	v5 =	vld [tilespmem:s16+$0xFFFFFFE0]  }
0x3f: {  	v6 =	vld [tilespmem:s16+$0xFFFFFFF0];
	s15 =	sor.u32 $0x8000, s14  }
0x40: {  	s31 =	sand.u32 $0x1, s11;
	v3 =	vld [tilespmem:s16+$0x0];
	s17 =	sadd.s32 $0x0, s15  }
0x41: {  	v4 =	vld [tilespmem:s16+$0x10];
	s14 =	smul.u32 $0x10200, s31;
	[tilespmem:s17+$0x3870 ss:$0x81] =	vst.msk $0xffff, v0  }
0x42: {  	v2 =	vld [tilespmem:s16+$0x20];
	[tilespmem:s17+$0x810 ss:$0x81] =	vst.msk $0xffff, v1  }
0x43: {  	s14 =	sshrl.u32 s14, $0x2;
	v0 =	vld [tilespmem:s16+$0xFFFFFFC0];
	[tilespmem:s17+$0x1020 ss:$0x81] =	vst.msk $0xffff, v5;
	s16 =	sadd.s32 $0x80, s16  }
0x44: {  	s18 =	simm.s32 $0x4;
	s19 =	simm.s32 $0x8;
	s14 =	sor.u32 $0x8000, s14;
	[tilespmem:s17+$0x1830 ss:$0x81] =	vst.msk $0xffff, v6;
	v1 =	vld [tilespmem:s16+$0x30]  }
.LBB1_3:
0x45: {  	p1 =	sne.s32 s19, $0x1FC;
	v5 =	vld [tilespmem:s16+$0xFFFFFFD0];
	[tilespmem:s17+$0x2040 ss:$0x81] =	vst.msk $0xffff, v3  }
0x46: {  	v6 =	vld [tilespmem:s16+$0xFFFFFFE0];
	[tilespmem:s17+$0x2850 ss:$0x81] =	vst.msk $0xffff, v4  }
0x47: {  	s20 =	sshra.s32 s18, $0x2;
	s18 =	smov.u32 s19;
	v7 =	vld [tilespmem:s16+$0xFFFFFFF0];
	[tilespmem:s17+$0x3060 ss:$0x81] =	vst.msk $0xffff, v2  }
.Ltmp3:
0x48: {  	v3 =	vld [tilespmem:s16+$0x0];
	[tilespmem:s17+$0x0 ss:$0x81] =	vst.msk $0xffff, v0;
	s17 =	sadd.s32 s20, s15;
	(pc) =	sbr.rel @p1 .LBB1_3-.Ltmp3, $4  }
0x49: {  	v4 =	vld [tilespmem:s16+$0x10];
	[tilespmem:s17+$0x3870 ss:$0x81] =	vst.msk $0xffff, v1  }
0x4a: {  	[tilespmem:s17+$0x810 ss:$0x81] =	vst.msk $0xffff, v5;
	v2 =	vld [tilespmem:s16+$0x20]  }
0x4b: {  	v0 =	vld [tilespmem:s16+$0xFFFFFFC0];
	[tilespmem:s17+$0x1020 ss:$0x81] =	vst.msk $0xffff, v6;
	s16 =	sadd.s32 $0x80, s16  }
0x4c: {  	s19 =	sadd.s32 $0x4, s19;
	v1 =	vld [tilespmem:s16+$0x30];
	[tilespmem:s17+$0x1830 ss:$0x81] =	vst.msk $0xffff, v7  }
.Ltmp4:
0x4d: {  	_ = 	snop;
	(pc) =	sbr.rel .LBB1_4-.Ltmp4, $1  }
0x4e: {  	_ =	sdelay $0x3  }
.LBB1_6:
0x4f: {  	_ =	sfence.sel $0x180000  }
0x50: {  	s2 =	simm.s32 $0x1;
	[bflag:$0x0] =	sbarrier.arrive $0xFFFF  }
0x51: {  	s31 =	simm.s32 $0x2;
	[sflag:s2] =	ssyncpa.u1 $0x1  }
0x52: {  	[sflag:s31] =	ssyncpa.u1 $0x1  }
0x53: {  	p0 =	sne.s32 s0, $0x0;
	_ =	strace $0x9000004D  }
0x54: {  	s0 =	sadd.s32 @!p0 $0x100000, s1;
	[bflag:$0x2] =	sbarrier.arrive $0xFFFF  }
0x55: {  	[sflag:s0] =	ssyncadd.tile.s32 @!p0 $0x1;
	_ =	shalt  }
.Lfunc_end1:
_tile_overlayer_lowered:
.L_overlay_start_2:
0x56: {  	(tag) =	ssettag $0x2  }
0x57: {  	s0 =	rddreg [dreg:$0x0];
	s2 =	stileid.u32  }
0x58: {  	s1 =	rddreg [dreg:$0x1];
	p0 =	sne.s32 s2, $0x0  }
0x59: {  	s3 =	rddreg [dreg:$0x2];
	[bflag:$0x3] =	sbarrier.arrive $0xFFFF;
	s2 =	simm.s32 @!p0 $0x1C01  }
0x5a: {  	[timem:s3], [sflag:s2] =	dma.local @!p0 [hbm:s0], s1  }
0x5b: {  	s0 =	simm.s32 @!p0 $0x1  }
0x5c: {  	_ =	swait.ge @!p0 [sflag:s0], s1  }
0x5d: {  	s1 =	ssub.s32 @!p0 $0x0, s1;
	[sflag:s0] =	ssyncset.done @!p0 $0x0  }
0x5e: {  	[sflag:s0] =	ssyncadd.s32 @!p0 s1  }
0x5f: {  	[bflag:$0x3] =	sbarrier.arrive $0xFFFF  }
0x60: {  	_ =	shalt  }

</sc_bundles>
